<compile_context>
chip_gen: v7x
topology: tpu7x:2x2x1
jax: 0.10.2.dev20260603
libtpu: 0.0.44.dev20260713+nightly
codegen_flags: <defaults>
</compile_context>

<pallas_src>
import functools

import jax
import jax.numpy as jnp
from jax import lax
from jax.experimental import pallas as pl
from jax.experimental.pallas import tpu as pltpu
from jax.experimental.pallas import tpu_sc as plsc

N = 8192
NF = 256
Q_BLK = 1024
R_CHUNK = 2048
BIG_I32 = 2**30


def _knn_body(t2t_ref, t1_ref, out_ref):
    q = t2t_ref[...]
    qn = (q[:, 0:1] * q[:, 0:1] + q[:, 1:2] * q[:, 1:2]) + q[:, 2:3] * q[:, 2:3]

    def body(c, carry):
        best, besti = carry
        t1c = t1_ref[:, pl.ds(c * R_CHUNK, R_CHUNK)]
        rn = (t1c[0:1] * t1c[0:1] + t1c[1:2] * t1c[1:2]) + t1c[2:3] * t1c[2:3]
        cr = lax.dot_general(q.astype(jnp.bfloat16), t1c.astype(jnp.bfloat16),
                             (((1,), (0,)), ((), ())),
                             preferred_element_type=jnp.float32)
        d = (qn + rn) - 2.0 * cr
        m = jnp.min(d, axis=1, keepdims=True)
        io = lax.broadcasted_iota(jnp.int32, (Q_BLK, R_CHUNK), 1) + c * R_CHUNK
        i = jnp.min(jnp.where(d == m, io, BIG_I32), axis=1, keepdims=True)
        upd = m < best
        best = jnp.where(upd, m, best)
        rounded = best.astype(jnp.bfloat16).astype(jnp.float32)
        best = jnp.where((c % 2) == 1, rounded, best)
        return best, jnp.where(upd, i, besti)

    init = (jnp.full((Q_BLK, 1), jnp.inf, jnp.float32),
            jnp.zeros((Q_BLK, 1), jnp.int32))
    _, besti = lax.fori_loop(0, N // R_CHUNK, body, init)
    out_ref[...] = besti


_knn = pl.pallas_call(
    _knn_body,
    grid=(N // Q_BLK,),
    in_specs=[
        pl.BlockSpec((Q_BLK, 3), lambda i: (i, 0)),
        pl.BlockSpec((3, N), lambda i: (0, 0)),
    ],
    out_specs=pl.BlockSpec((Q_BLK, 1), lambda i: (i, 0)),
    out_shape=jax.ShapeDtypeStruct((N, 1), jnp.int32),
)


_NC, _NS = 2, 16
_NW = _NC * _NS
_ROWS_PER_W = NF // _NW

_sc_mesh = plsc.VectorSubcoreMesh(core_axis_name="c", subcore_axis_name="s")


@functools.partial(
    pl.kernel,
    out_type=jax.ShapeDtypeStruct((2 * NF, N), jnp.float32),
    mesh=_sc_mesh,
    scratch_types=[
        pltpu.VMEM((N,), jnp.int32),
        pltpu.VMEM((N,), jnp.float32),
        pltpu.VMEM((N,), jnp.float32),
    ],
    compiler_params=pltpu.CompilerParams(needs_layout_passes=False),
)
def _gather_sc(emb1_hbm, emb2_hbm, idx_hbm, out_hbm, idx_v, row_v, orow_v):
    wid = lax.axis_index("s") * _NC + lax.axis_index("c")
    pltpu.sync_copy(idx_hbm, idx_v)

    def row_body(j, _):
        r = wid * _ROWS_PER_W + j
        pltpu.sync_copy(emb1_hbm.at[r], row_v)

        def qloop(qi, _):
            iv = idx_v[pl.ds(qi * 16, 16)]
            orow_v[pl.ds(qi * 16, 16)] = plsc.load_gather(row_v, [iv])
            return 0

        lax.fori_loop(0, N // 16, qloop, 0, unroll=8)
        pltpu.sync_copy(orow_v, out_hbm.at[r])
        pltpu.sync_copy(emb2_hbm.at[r], row_v)
        pltpu.sync_copy(row_v, out_hbm.at[NF + r])
        return 0

    lax.fori_loop(0, _ROWS_PER_W, row_body, 0)


def kernel(emb1, emb2, t1, t2):
    t1_2 = t1.reshape(3, N)
    t2_2 = t2.reshape(3, N)
    idx = _knn(t2_2.T, t1_2).reshape(N)
    out = _gather_sc(emb1.reshape(NF, N), emb2.reshape(NF, N), idx)
    return out.reshape(1, 2 * NF, N)

# --- scband reference (transcript-rebuilt; emitter-appended) ---
"""Pipeline reference for scband-nearest-translation-emb-stack-72808285602353 (READ-ONLY COPY).

The authoritative reference and input builder live on the scoring server;
editing this copy changes nothing except your own understanding.
"""

import jax, jax.numpy as jnp
import numpy as np


def _knn1_inds(ref, query):
    # ref, query: [bs, 3, n]. Returns 1-indexed nearest-ref index per query point: [bs, nq]
    rn = jnp.sum(ref * ref, axis=1)          # [bs, nr]
    qn = jnp.sum(query * query, axis=1)      # [bs, nq]
    cross = jnp.einsum('bdq,bdr->bqr', query, ref)  # [bs, nq, nr]
    d = qn[:, :, None] + rn[:, None, :] - 2.0 * cross
    return jnp.argmin(d, axis=2) + 1         # 1-indexed like the CUDA KNearestNeighbor op


def setup_inputs(seed: int = 0) -> dict:
    key = jax.random.key(seed)
    k1, k2, k3, k4 = jax.random.split(key, 4)
    bs, num_feat, num_points = 1, 256, 8192
    emb1 = jax.random.normal(k1, (bs, num_feat, num_points), dtype=jnp.float32)
    emb2 = jax.random.normal(k2, (bs, num_feat, num_points), dtype=jnp.float32)
    t1 = jax.random.normal(k3, (bs, 3, num_points), dtype=jnp.float32)
    t2 = jax.random.normal(k4, (bs, 3, num_points), dtype=jnp.float32)
    return {"emb1": emb1, "emb2": emb2, "t1": t1, "t2": t2}


def reference(emb1, emb2, t1, t2):
    bs, num_feat, num_points = emb1.shape
    t1 = t1.reshape(bs, 3, -1)
    t2 = t2.reshape(bs, 3, -1)
    inds = _knn1_inds(t1, t2)                 # [bs, nq], 1-indexed
    idx = inds.reshape(-1) - 1                # flattened, 0-indexed (matches torch view(-1) - 1)
    t1_sel = jnp.take(t1, idx, axis=2)        # computed but unused downstream, as in original
    emb1_sel = jnp.take(emb1, idx, axis=2)    # [bs, num_feat, num_points]
    emb = jnp.stack([emb1_sel, emb2], axis=1).reshape(bs, num_feat * 2, num_points)
    return emb

if __name__ == "__main__":
    import jax
    _d = setup_inputs()
    print(jax.jit(kernel)(*tuple(_d.values())))

</pallas_src>

<mosaic_0001>
#map = affine_map<(d0, d1) -> (0, 0)>
#map1 = affine_map<(d0, d1) -> (0)>
module attributes {stable_mosaic.version = 14 : i64} {
  func.func @_gather_sc(%arg0: i32, %arg1: i32, %arg2: memref<256x8192xf32, #tpu.memory_space<hbm>>, %arg3: memref<256x8192xf32, #tpu.memory_space<hbm>>, %arg4: memref<8192xi32, #tpu.memory_space<hbm>>, %arg5: memref<512x8192xf32, #tpu.memory_space<hbm>>, %arg6: memref<8192xi32, #tpu.memory_space<vmem>>, %arg7: memref<8192xf32, #tpu.memory_space<vmem>>, %arg8: memref<8192xf32, #tpu.memory_space<vmem>>) attributes {dimension_semantics = [#tpu.dimension_semantics<core_parallel>, #tpu.dimension_semantics<subcore_parallel>], iteration_bounds = array<i64: 2, 16>, scalar_prefetch = 0 : i64, scratch_operands = 3 : i64, tpu.core_type = #tpu.core_type<sc_vector_subcore>, window_params = [{transform_indices = #map}, {transform_indices = #map}, {transform_indices = #map1}, {transform_indices = #map}]} {
    %mul3A = arith.constant 2 : i32
    %mul3A_0 = arith.muli %arg1, %mul3A : i32
    %add3A = arith.addi %mul3A_0, %arg0 : i32
    "tpu.region"() ({
      %run_scoped3A = tpu.sem_alloc : memref<!tpu.dma_semaphore, #tpu.memory_space<semaphore_mem>>
      tpu.enqueue_dma source(%arg4 : memref<8192xi32, #tpu.memory_space<hbm>>) target(%arg6 : memref<8192xi32, #tpu.memory_space<vmem>>) target_semaphore(%run_scoped3A : memref<!tpu.dma_semaphore, #tpu.memory_space<semaphore_mem>>)
      tpu.wait_dma2 semaphore(%run_scoped3A : memref<!tpu.dma_semaphore, #tpu.memory_space<semaphore_mem>>) src(%arg4 : memref<8192xi32, #tpu.memory_space<hbm>>) dst(%arg6 : memref<8192xi32, #tpu.memory_space<vmem>>)
      tpu.yield
    }) : () -> ()
    %scan3A = arith.constant 0 : i32
    %scan3A_1 = arith.constant 0 : i32
    %scan3A_2 = arith.constant 8 : i32
    %scan3A_3 = arith.addi %scan3A_1, %scan3A_2 : i32
    %scan3A_4 = arith.constant 1 : i32
    %scan3A_5 = scf.for %scan3A_7 = %scan3A_1 to %scan3A_3 step %scan3A_4 iter_args(%scan3A_8 = %scan3A) -> (i32)  : i32 {
      %mul3A_9 = arith.constant 8 : i32
      %mul3A_10 = arith.muli %add3A, %mul3A_9 : i32
      %add3A_11 = arith.addi %mul3A_10, %scan3A_7 : i32
      "tpu.region"() ({
        %run_scoped3A = tpu.sem_alloc : memref<!tpu.dma_semaphore, #tpu.memory_space<semaphore_mem>>
        %dma_start3A = arith.constant 0 : i32
        %dma_start3A_22 = tpu.memref_slice %arg2[%add3A_11, %dma_start3A] : memref<256x8192xf32, #tpu.memory_space<hbm>> -> memref<1x8192xf32, #tpu.memory_space<hbm>>
        %dma_start3A_23 = tpu.memref_squeeze %dma_start3A_22 : memref<1x8192xf32, #tpu.memory_space<hbm>> -> memref<8192xf32, #tpu.memory_space<hbm>>
        %dma_start3A_24 = arith.constant 0 : i32
        %dma_start3A_25 = tpu.memref_slice %arg2[%add3A_11, %dma_start3A_24] : memref<256x8192xf32, #tpu.memory_space<hbm>> -> memref<1x8192xf32, #tpu.memory_space<hbm>>
        %dma_start3A_26 = tpu.memref_squeeze %dma_start3A_25 : memref<1x8192xf32, #tpu.memory_space<hbm>> -> memref<8192xf32, #tpu.memory_space<hbm>>
        tpu.enqueue_dma source(%dma_start3A_26 : memref<8192xf32, #tpu.memory_space<hbm>>) target(%arg7 : memref<8192xf32, #tpu.memory_space<vmem>>) target_semaphore(%run_scoped3A : memref<!tpu.dma_semaphore, #tpu.memory_space<semaphore_mem>>)
        %dma_wait3A = arith.constant 0 : i32
        %dma_wait3A_27 = tpu.memref_slice %arg2[%add3A_11, %dma_wait3A] : memref<256x8192xf32, #tpu.memory_space<hbm>> -> memref<1x8192xf32, #tpu.memory_space<hbm>>
        %dma_wait3A_28 = tpu.memref_squeeze %dma_wait3A_27 : memref<1x8192xf32, #tpu.memory_space<hbm>> -> memref<8192xf32, #tpu.memory_space<hbm>>
        %dma_wait3A_29 = arith.constant 0 : i32
        %dma_wait3A_30 = tpu.memref_slice %arg2[%add3A_11, %dma_wait3A_29] : memref<256x8192xf32, #tpu.memory_space<hbm>> -> memref<1x8192xf32, #tpu.memory_space<hbm>>
        %dma_wait3A_31 = tpu.memref_squeeze %dma_wait3A_30 : memref<1x8192xf32, #tpu.memory_space<hbm>> -> memref<8192xf32, #tpu.memory_space<hbm>>
        tpu.wait_dma2 semaphore(%run_scoped3A : memref<!tpu.dma_semaphore, #tpu.memory_space<semaphore_mem>>) src(%dma_wait3A_31 : memref<8192xf32, #tpu.memory_space<hbm>>) dst(%arg7 : memref<8192xf32, #tpu.memory_space<vmem>>)
        tpu.yield
      }) : () -> ()
      %scan3A_12 = arith.constant 0 : i32
      %scan3A_13 = arith.constant 0 : i32
      %scan3A_14 = arith.constant 512 : i32
      %scan3A_15 = arith.addi %scan3A_13, %scan3A_14 : i32
      %scan3A_16 = arith.constant 8 : i32
      %scan3A_17 = scf.for %scan3A_22 = %scan3A_13 to %scan3A_15 step %scan3A_16 iter_args(%scan3A_23 = %scan3A_12) -> (i32)  : i32 {
        %mul3A_24 = arith.constant 16 : i32
        %mul3A_25 = arith.muli %scan3A_22, %mul3A_24 : i32
        %get3A = arith.index_cast %mul3A_25 : i32 to index
        %get3A_26 = tpu.vector_load %arg6[%get3A] {strides = array<i32>} : memref<8192xi32, #tpu.memory_space<vmem>>, vector<16xi32>,
        %gather3A = tpu.vector_load_idx %arg7[%get3A_26] : memref<8192xf32, #tpu.memory_space<vmem>>[vector<16xi32>], vector<16xf32>,
        %mul3A_27 = arith.constant 16 : i32
        %mul3A_28 = arith.muli %scan3A_22, %mul3A_27 : i32
        %swap3A = arith.index_cast %mul3A_28 : i32 to index
        %swap3A_29 = tpu.vector_load %arg8[%swap3A] {strides = array<i32>} : memref<8192xf32, #tpu.memory_space<vmem>>, vector<16xf32>,
        tpu.vector_store %arg8[%swap3A], %gather3A {strides = array<i32>} : memref<8192xf32, #tpu.memory_space<vmem>>, vector<16xf32>,
        %scan3A_30 = arith.constant 0 : i32
        %scan3A_31 = arith.constant 1 : i32
        %scan3A_32 = arith.addi %scan3A_22, %scan3A_31 : i32
        %mul3A_33 = arith.constant 16 : i32
        %mul3A_34 = arith.muli %scan3A_32, %mul3A_33 : i32
        %get3A_35 = arith.index_cast %mul3A_34 : i32 to index
        %get3A_36 = tpu.vector_load %arg6[%get3A_35] {strides = array<i32>} : memref<8192xi32, #tpu.memory_space<vmem>>, vector<16xi32>,
        %gather3A_37 = tpu.vector_load_idx %arg7[%get3A_36] : memref<8192xf32, #tpu.memory_space<vmem>>[vector<16xi32>], vector<16xf32>,
        %mul3A_38 = arith.constant 16 : i32
        %mul3A_39 = arith.muli %scan3A_32, %mul3A_38 : i32
        %swap3A_40 = arith.index_cast %mul3A_39 : i32 to index
        %swap3A_41 = tpu.vector_load %arg8[%swap3A_40] {strides = array<i32>} : memref<8192xf32, #tpu.memory_space<vmem>>, vector<16xf32>,
        tpu.vector_store %arg8[%swap3A_40], %gather3A_37 {strides = array<i32>} : memref<8192xf32, #tpu.memory_space<vmem>>, vector<16xf32>,
        %scan3A_42 = arith.constant 0 : i32
        %scan3A_43 = arith.constant 2 : i32
        %scan3A_44 = arith.addi %scan3A_22, %scan3A_43 : i32
        %mul3A_45 = arith.constant 16 : i32
        %mul3A_46 = arith.muli %scan3A_44, %mul3A_45 : i32
        %get3A_47 = arith.index_cast %mul3A_46 : i32 to index
        %get3A_48 = tpu.vector_load %arg6[%get3A_47] {strides = array<i32>} : memref<8192xi32, #tpu.memory_space<vmem>>, vector<16xi32>,
        %gather3A_49 = tpu.vector_load_idx %arg7[%get3A_48] : memref<8192xf32, #tpu.memory_space<vmem>>[vector<16xi32>], vector<16xf32>,
        %mul3A_50 = arith.constant 16 : i32
        %mul3A_51 = arith.muli %scan3A_44, %mul3A_50 : i32
        %swap3A_52 = arith.index_cast %mul3A_51 : i32 to index
        %swap3A_53 = tpu.vector_load %arg8[%swap3A_52] {strides = array<i32>} : memref<8192xf32, #tpu.memory_space<vmem>>, vector<16xf32>,
        tpu.vector_store %arg8[%swap3A_52], %gather3A_49 {strides = array<i32>} : memref<8192xf32, #tpu.memory_space<vmem>>, vector<16xf32>,
        %scan3A_54 = arith.constant 0 : i32
        %scan3A_55 = arith.constant 3 : i32
        %scan3A_56 = arith.addi %scan3A_22, %scan3A_55 : i32
        %mul3A_57 = arith.constant 16 : i32
        %mul3A_58 = arith.muli %scan3A_56, %mul3A_57 : i32
        %get3A_59 = arith.index_cast %mul3A_58 : i32 to index
        %get3A_60 = tpu.vector_load %arg6[%get3A_59] {strides = array<i32>} : memref<8192xi32, #tpu.memory_space<vmem>>, vector<16xi32>,
        %gather3A_61 = tpu.vector_load_idx %arg7[%get3A_60] : memref<8192xf32, #tpu.memory_space<vmem>>[vector<16xi32>], vector<16xf32>,
        %mul3A_62 = arith.constant 16 : i32
        %mul3A_63 = arith.muli %scan3A_56, %mul3A_62 : i32
        %swap3A_64 = arith.index_cast %mul3A_63 : i32 to index
        %swap3A_65 = tpu.vector_load %arg8[%swap3A_64] {strides = array<i32>} : memref<8192xf32, #tpu.memory_space<vmem>>, vector<16xf32>,
        tpu.vector_store %arg8[%swap3A_64], %gather3A_61 {strides = array<i32>} : memref<8192xf32, #tpu.memory_space<vmem>>, vector<16xf32>,
        %scan3A_66 = arith.constant 0 : i32
        %scan3A_67 = arith.constant 4 : i32
        %scan3A_68 = arith.addi %scan3A_22, %scan3A_67 : i32
        %mul3A_69 = arith.constant 16 : i32
        %mul3A_70 = arith.muli %scan3A_68, %mul3A_69 : i32
        %get3A_71 = arith.index_cast %mul3A_70 : i32 to index
        %get3A_72 = tpu.vector_load %arg6[%get3A_71] {strides = array<i32>} : memref<8192xi32, #tpu.memory_space<vmem>>, vector<16xi32>,
        %gather3A_73 = tpu.vector_load_idx %arg7[%get3A_72] : memref<8192xf32, #tpu.memory_space<vmem>>[vector<16xi32>], vector<16xf32>,
        %mul3A_74 = arith.constant 16 : i32
        %mul3A_75 = arith.muli %scan3A_68, %mul3A_74 : i32
        %swap3A_76 = arith.index_cast %mul3A_75 : i32 to index
        %swap3A_77 = tpu.vector_load %arg8[%swap3A_76] {strides = array<i32>} : memref<8192xf32, #tpu.memory_space<vmem>>, vector<16xf32>,
        tpu.vector_store %arg8[%swap3A_76], %gather3A_73 {strides = array<i32>} : memref<8192xf32, #tpu.memory_space<vmem>>, vector<16xf32>,
        %scan3A_78 = arith.constant 0 : i32
        %scan3A_79 = arith.constant 5 : i32
        %scan3A_80 = arith.addi %scan3A_22, %scan3A_79 : i32
        %mul3A_81 = arith.constant 16 : i32
        %mul3A_82 = arith.muli %scan3A_80, %mul3A_81 : i32
        %get3A_83 = arith.index_cast %mul3A_82 : i32 to index
        %get3A_84 = tpu.vector_load %arg6[%get3A_83] {strides = array<i32>} : memref<8192xi32, #tpu.memory_space<vmem>>, vector<16xi32>,
        %gather3A_85 = tpu.vector_load_idx %arg7[%get3A_84] : memref<8192xf32, #tpu.memory_space<vmem>>[vector<16xi32>], vector<16xf32>,
        %mul3A_86 = arith.constant 16 : i32
        %mul3A_87 = arith.muli %scan3A_80, %mul3A_86 : i32
        %swap3A_88 = arith.index_cast %mul3A_87 : i32 to index
        %swap3A_89 = tpu.vector_load %arg8[%swap3A_88] {strides = array<i32>} : memref<8192xf32, #tpu.memory_space<vmem>>, vector<16xf32>,
        tpu.vector_store %arg8[%swap3A_88], %gather3A_85 {strides = array<i32>} : memref<8192xf32, #tpu.memory_space<vmem>>, vector<16xf32>,
        %scan3A_90 = arith.constant 0 : i32
        %scan3A_91 = arith.constant 6 : i32
        %scan3A_92 = arith.addi %scan3A_22, %scan3A_91 : i32
        %mul3A_93 = arith.constant 16 : i32
        %mul3A_94 = arith.muli %scan3A_92, %mul3A_93 : i32
        %get3A_95 = arith.index_cast %mul3A_94 : i32 to index
        %get3A_96 = tpu.vector_load %arg6[%get3A_95] {strides = array<i32>} : memref<8192xi32, #tpu.memory_space<vmem>>, vector<16xi32>,
        %gather3A_97 = tpu.vector_load_idx %arg7[%get3A_96] : memref<8192xf32, #tpu.memory_space<vmem>>[vector<16xi32>], vector<16xf32>,
        %mul3A_98 = arith.constant 16 : i32
        %mul3A_99 = arith.muli %scan3A_92, %mul3A_98 : i32
        %swap3A_100 = arith.index_cast %mul3A_99 : i32 to index
        %swap3A_101 = tpu.vector_load %arg8[%swap3A_100] {strides = array<i32>} : memref<8192xf32, #tpu.memory_space<vmem>>, vector<16xf32>,
        tpu.vector_store %arg8[%swap3A_100], %gather3A_97 {strides = array<i32>} : memref<8192xf32, #tpu.memory_space<vmem>>, vector<16xf32>,
        %scan3A_102 = arith.constant 0 : i32
        %scan3A_103 = arith.constant 7 : i32
        %scan3A_104 = arith.addi %scan3A_22, %scan3A_103 : i32
        %mul3A_105 = arith.constant 16 : i32
        %mul3A_106 = arith.muli %scan3A_104, %mul3A_105 : i32
        %get3A_107 = arith.index_cast %mul3A_106 : i32 to index
        %get3A_108 = tpu.vector_load %arg6[%get3A_107] {strides = array<i32>} : memref<8192xi32, #tpu.memory_space<vmem>>, vector<16xi32>,
        %gather3A_109 = tpu.vector_load_idx %arg7[%get3A_108] : memref<8192xf32, #tpu.memory_space<vmem>>[vector<16xi32>], vector<16xf32>,
        %mul3A_110 = arith.constant 16 : i32
        %mul3A_111 = arith.muli %scan3A_104, %mul3A_110 : i32
        %swap3A_112 = arith.index_cast %mul3A_111 : i32 to index
        %swap3A_113 = tpu.vector_load %arg8[%swap3A_112] {strides = array<i32>} : memref<8192xf32, #tpu.memory_space<vmem>>, vector<16xf32>,
        tpu.vector_store %arg8[%swap3A_112], %gather3A_109 {strides = array<i32>} : memref<8192xf32, #tpu.memory_space<vmem>>, vector<16xf32>,
        %scan3A_114 = arith.constant 0 : i32
        scf.yield %scan3A_114 : i32
      }
      %scan3A_18 = arith.constant 512 : i32
      "tpu.region"() ({
        %run_scoped3A = tpu.sem_alloc : memref<!tpu.dma_semaphore, #tpu.memory_space<semaphore_mem>>
        %dma_start3A = arith.constant 0 : i32
        %dma_start3A_22 = tpu.memref_slice %arg5[%add3A_11, %dma_start3A] : memref<512x8192xf32, #tpu.memory_space<hbm>> -> memref<1x8192xf32, #tpu.memory_space<hbm>>
        %dma_start3A_23 = tpu.memref_squeeze %dma_start3A_22 : memref<1x8192xf32, #tpu.memory_space<hbm>> -> memref<8192xf32, #tpu.memory_space<hbm>>
        %dma_start3A_24 = arith.constant 0 : i32
        %dma_start3A_25 = tpu.memref_slice %arg5[%add3A_11, %dma_start3A_24] : memref<512x8192xf32, #tpu.memory_space<hbm>> -> memref<1x8192xf32, #tpu.memory_space<hbm>>
        %dma_start3A_26 = tpu.memref_squeeze %dma_start3A_25 : memref<1x8192xf32, #tpu.memory_space<hbm>> -> memref<8192xf32, #tpu.memory_space<hbm>>
        tpu.enqueue_dma source(%arg8 : memref<8192xf32, #tpu.memory_space<vmem>>) target(%dma_start3A_26 : memref<8192xf32, #tpu.memory_space<hbm>>) target_semaphore(%run_scoped3A : memref<!tpu.dma_semaphore, #tpu.memory_space<semaphore_mem>>)
        %dma_wait3A = arith.constant 0 : i32
        %dma_wait3A_27 = tpu.memref_slice %arg5[%add3A_11, %dma_wait3A] : memref<512x8192xf32, #tpu.memory_space<hbm>> -> memref<1x8192xf32, #tpu.memory_space<hbm>>
        %dma_wait3A_28 = tpu.memref_squeeze %dma_wait3A_27 : memref<1x8192xf32, #tpu.memory_space<hbm>> -> memref<8192xf32, #tpu.memory_space<hbm>>
        %dma_wait3A_29 = arith.constant 0 : i32
        %dma_wait3A_30 = tpu.memref_slice %arg5[%add3A_11, %dma_wait3A_29] : memref<512x8192xf32, #tpu.memory_space<hbm>> -> memref<1x8192xf32, #tpu.memory_space<hbm>>
        %dma_wait3A_31 = tpu.memref_squeeze %dma_wait3A_30 : memref<1x8192xf32, #tpu.memory_space<hbm>> -> memref<8192xf32, #tpu.memory_space<hbm>>
        tpu.wait_dma2 semaphore(%run_scoped3A : memref<!tpu.dma_semaphore, #tpu.memory_space<semaphore_mem>>) src(%arg8 : memref<8192xf32, #tpu.memory_space<vmem>>) dst(%dma_wait3A_31 : memref<8192xf32, #tpu.memory_space<hbm>>)
        tpu.yield
      }) : () -> ()
      "tpu.region"() ({
        %run_scoped3A = tpu.sem_alloc : memref<!tpu.dma_semaphore, #tpu.memory_space<semaphore_mem>>
        %dma_start3A = arith.constant 0 : i32
        %dma_start3A_22 = tpu.memref_slice %arg3[%add3A_11, %dma_start3A] : memref<256x8192xf32, #tpu.memory_space<hbm>> -> memref<1x8192xf32, #tpu.memory_space<hbm>>
        %dma_start3A_23 = tpu.memref_squeeze %dma_start3A_22 : memref<1x8192xf32, #tpu.memory_space<hbm>> -> memref<8192xf32, #tpu.memory_space<hbm>>
        %dma_start3A_24 = arith.constant 0 : i32
        %dma_start3A_25 = tpu.memref_slice %arg3[%add3A_11, %dma_start3A_24] : memref<256x8192xf32, #tpu.memory_space<hbm>> -> memref<1x8192xf32, #tpu.memory_space<hbm>>
        %dma_start3A_26 = tpu.memref_squeeze %dma_start3A_25 : memref<1x8192xf32, #tpu.memory_space<hbm>> -> memref<8192xf32, #tpu.memory_space<hbm>>
        tpu.enqueue_dma source(%dma_start3A_26 : memref<8192xf32, #tpu.memory_space<hbm>>) target(%arg7 : memref<8192xf32, #tpu.memory_space<vmem>>) target_semaphore(%run_scoped3A : memref<!tpu.dma_semaphore, #tpu.memory_space<semaphore_mem>>)
        %dma_wait3A = arith.constant 0 : i32
        %dma_wait3A_27 = tpu.memref_slice %arg3[%add3A_11, %dma_wait3A] : memref<256x8192xf32, #tpu.memory_space<hbm>> -> memref<1x8192xf32, #tpu.memory_space<hbm>>
        %dma_wait3A_28 = tpu.memref_squeeze %dma_wait3A_27 : memref<1x8192xf32, #tpu.memory_space<hbm>> -> memref<8192xf32, #tpu.memory_space<hbm>>
        %dma_wait3A_29 = arith.constant 0 : i32
        %dma_wait3A_30 = tpu.memref_slice %arg3[%add3A_11, %dma_wait3A_29] : memref<256x8192xf32, #tpu.memory_space<hbm>> -> memref<1x8192xf32, #tpu.memory_space<hbm>>
        %dma_wait3A_31 = tpu.memref_squeeze %dma_wait3A_30 : memref<1x8192xf32, #tpu.memory_space<hbm>> -> memref<8192xf32, #tpu.memory_space<hbm>>
        tpu.wait_dma2 semaphore(%run_scoped3A : memref<!tpu.dma_semaphore, #tpu.memory_space<semaphore_mem>>) src(%dma_wait3A_31 : memref<8192xf32, #tpu.memory_space<hbm>>) dst(%arg7 : memref<8192xf32, #tpu.memory_space<vmem>>)
        tpu.yield
      }) : () -> ()
      %add3A_19 = arith.constant 256 : i32
      %add3A_20 = arith.addi %add3A_19, %add3A_11 : i32
      "tpu.region"() ({
        %run_scoped3A = tpu.sem_alloc : memref<!tpu.dma_semaphore, #tpu.memory_space<semaphore_mem>>
        %dma_start3A = arith.constant 0 : i32
        %dma_start3A_22 = tpu.memref_slice %arg5[%add3A_20, %dma_start3A] : memref<512x8192xf32, #tpu.memory_space<hbm>> -> memref<1x8192xf32, #tpu.memory_space<hbm>>
        %dma_start3A_23 = tpu.memref_squeeze %dma_start3A_22 : memref<1x8192xf32, #tpu.memory_space<hbm>> -> memref<8192xf32, #tpu.memory_space<hbm>>
        %dma_start3A_24 = arith.constant 0 : i32
        %dma_start3A_25 = tpu.memref_slice %arg5[%add3A_20, %dma_start3A_24] : memref<512x8192xf32, #tpu.memory_space<hbm>> -> memref<1x8192xf32, #tpu.memory_space<hbm>>
        %dma_start3A_26 = tpu.memref_squeeze %dma_start3A_25 : memref<1x8192xf32, #tpu.memory_space<hbm>> -> memref<8192xf32, #tpu.memory_space<hbm>>
        tpu.enqueue_dma source(%arg7 : memref<8192xf32, #tpu.memory_space<vmem>>) target(%dma_start3A_26 : memref<8192xf32, #tpu.memory_space<hbm>>) target_semaphore(%run_scoped3A : memref<!tpu.dma_semaphore, #tpu.memory_space<semaphore_mem>>)
        %dma_wait3A = arith.constant 0 : i32
        %dma_wait3A_27 = tpu.memref_slice %arg5[%add3A_20, %dma_wait3A] : memref<512x8192xf32, #tpu.memory_space<hbm>> -> memref<1x8192xf32, #tpu.memory_space<hbm>>
        %dma_wait3A_28 = tpu.memref_squeeze %dma_wait3A_27 : memref<1x8192xf32, #tpu.memory_space<hbm>> -> memref<8192xf32, #tpu.memory_space<hbm>>
        %dma_wait3A_29 = arith.constant 0 : i32
        %dma_wait3A_30 = tpu.memref_slice %arg5[%add3A_20, %dma_wait3A_29] : memref<512x8192xf32, #tpu.memory_space<hbm>> -> memref<1x8192xf32, #tpu.memory_space<hbm>>
        %dma_wait3A_31 = tpu.memref_squeeze %dma_wait3A_30 : memref<1x8192xf32, #tpu.memory_space<hbm>> -> memref<8192xf32, #tpu.memory_space<hbm>>
        tpu.wait_dma2 semaphore(%run_scoped3A : memref<!tpu.dma_semaphore, #tpu.memory_space<semaphore_mem>>) src(%arg7 : memref<8192xf32, #tpu.memory_space<vmem>>) dst(%dma_wait3A_31 : memref<8192xf32, #tpu.memory_space<hbm>>)
        tpu.yield
      }) : () -> ()
      %scan3A_21 = arith.constant 0 : i32
      scf.yield %scan3A_21 : i32
    }
    %scan3A_6 = arith.constant 8 : i32
    return
  }
}

module attributes {stable_mosaic.version = 14 : i64} {
  func.func @_knn_body(%arg0: i32, %arg1: memref<1024x3xf32, #tpu.memory_space<vmem>>, %arg2: memref<3x8192xf32, #tpu.memory_space<vmem>>, %arg3: memref<1024x1xi32, #tpu.memory_space<vmem>>) attributes {dimension_semantics = [#tpu.dimension_semantics<arbitrary>], iteration_bounds = array<i64: 8>, scalar_prefetch = 0 : i64, scratch_operands = 0 : i64, tpu.core_type = #tpu.core_type<tc>, window_params = [{transform_indices = @transform_0, window_bounds = array<i64: 1024, 3>}, {pipeline_mode = #tpu.pipeline_mode<synchronous>, transform_indices = @transform_1, window_bounds = array<i64: 3, 8192>}, {transform_indices = @transform_2, window_bounds = array<i64: 1024, 1>}]} {
    %get3A = arith.constant 0 : index
    %get3A_0 = arith.constant 0 : index
    %get3A_1 = vector.load %arg1[%get3A, %get3A_0] : memref<1024x3xf32, #tpu.memory_space<vmem>>, vector<1024x3xf32>
    %slice3A = vector.extract_strided_slice %get3A_1 {offsets = [0, 0], sizes = [1024, 1], strides = [1, 1]} : vector<1024x3xf32> to vector<1024x1xf32>
    %slice3A_2 = vector.extract_strided_slice %get3A_1 {offsets = [0, 0], sizes = [1024, 1], strides = [1, 1]} : vector<1024x3xf32> to vector<1024x1xf32>
    %mul3A = arith.mulf %slice3A, %slice3A_2 : vector<1024x1xf32>
    %slice3A_3 = vector.extract_strided_slice %get3A_1 {offsets = [0, 1], sizes = [1024, 1], strides = [1, 1]} : vector<1024x3xf32> to vector<1024x1xf32>
    %slice3A_4 = vector.extract_strided_slice %get3A_1 {offsets = [0, 1], sizes = [1024, 1], strides = [1, 1]} : vector<1024x3xf32> to vector<1024x1xf32>
    %mul3A_5 = arith.mulf %slice3A_3, %slice3A_4 : vector<1024x1xf32>
    %add3A = arith.addf %mul3A, %mul3A_5 : vector<1024x1xf32>
    %slice3A_6 = vector.extract_strided_slice %get3A_1 {offsets = [0, 2], sizes = [1024, 1], strides = [1, 1]} : vector<1024x3xf32> to vector<1024x1xf32>
    %slice3A_7 = vector.extract_strided_slice %get3A_1 {offsets = [0, 2], sizes = [1024, 1], strides = [1, 1]} : vector<1024x3xf32> to vector<1024x1xf32>
    %mul3A_8 = arith.mulf %slice3A_6, %slice3A_7 : vector<1024x1xf32>
    %add3A_9 = arith.addf %add3A, %mul3A_8 : vector<1024x1xf32>
    %broadcast_in_dim3A = arith.constant 0x7F800000 : f32
    %broadcast_in_dim3A_10 = vector.broadcast %broadcast_in_dim3A : f32 to vector<1024x1xf32>
    %broadcast_in_dim3A_11 = arith.constant 0 : i32
    %broadcast_in_dim3A_12 = vector.broadcast %broadcast_in_dim3A_11 : i32 to vector<1024x1xi32>
    %scan3A = arith.constant 0 : i32
    %scan3A_13 = arith.constant 4 : i32
    %scan3A_14 = arith.addi %scan3A, %scan3A_13 : i32
    %scan3A_15 = arith.constant 1 : i32
    %scan3A_16:2 = scf.for %scan3A_20 = %scan3A to %scan3A_14 step %scan3A_15 iter_args(%scan3A_21 = %broadcast_in_dim3A_10, %scan3A_22 = %broadcast_in_dim3A_12) -> (vector<1024x1xf32>, vector<1024x1xi32>)  : i32 {
      %mul3A_23 = arith.constant 2048 : i32
      %mul3A_24 = arith.muli %scan3A_20, %mul3A_23 : i32
      %get3A_25 = arith.constant 0 : index
      %get3A_26 = arith.index_cast %mul3A_24 : i32 to index
      %get3A_27 = vector.load %arg2[%get3A_25, %get3A_26] : memref<3x8192xf32, #tpu.memory_space<vmem>>, vector<3x2048xf32>
      %slice3A_28 = vector.extract_strided_slice %get3A_27 {offsets = [0, 0], sizes = [1, 2048], strides = [1, 1]} : vector<3x2048xf32> to vector<1x2048xf32>
      %slice3A_29 = vector.extract_strided_slice %get3A_27 {offsets = [0, 0], sizes = [1, 2048], strides = [1, 1]} : vector<3x2048xf32> to vector<1x2048xf32>
      %mul3A_30 = arith.mulf %slice3A_28, %slice3A_29 : vector<1x2048xf32>
      %slice3A_31 = vector.extract_strided_slice %get3A_27 {offsets = [1, 0], sizes = [1, 2048], strides = [1, 1]} : vector<3x2048xf32> to vector<1x2048xf32>
      %slice3A_32 = vector.extract_strided_slice %get3A_27 {offsets = [1, 0], sizes = [1, 2048], strides = [1, 1]} : vector<3x2048xf32> to vector<1x2048xf32>
      %mul3A_33 = arith.mulf %slice3A_31, %slice3A_32 : vector<1x2048xf32>
      %add3A_34 = arith.addf %mul3A_30, %mul3A_33 : vector<1x2048xf32>
      %slice3A_35 = vector.extract_strided_slice %get3A_27 {offsets = [2, 0], sizes = [1, 2048], strides = [1, 1]} : vector<3x2048xf32> to vector<1x2048xf32>
      %slice3A_36 = vector.extract_strided_slice %get3A_27 {offsets = [2, 0], sizes = [1, 2048], strides = [1, 1]} : vector<3x2048xf32> to vector<1x2048xf32>
      %mul3A_37 = arith.mulf %slice3A_35, %slice3A_36 : vector<1x2048xf32>
      %add3A_38 = arith.addf %add3A_34, %mul3A_37 : vector<1x2048xf32>
      %convert_element_type3A = arith.truncf %get3A_1 : vector<1024x3xf32> to vector<1024x3xbf16>
      %convert_element_type3A_39 = arith.truncf %get3A_27 : vector<3x2048xf32> to vector<3x2048xbf16>
      %dot_general3A = arith.constant dense<0.000000e+00> : vector<1024x2048xf32>
      %dot_general3A_40 = tpu.matmul %convert_element_type3A, %convert_element_type3A_39, %dot_general3A {dimension_numbers = #tpu.dot_dimension_numbers<[1], [0], [0], [1], [0, 0, 1, 1], [], []>, transpose_lhs_hint = false} : vector<1024x3xbf16>, vector<3x2048xbf16>, vector<1024x2048xf32> -> vector<1024x2048xf32>
      %add3A_41 = vector.broadcast %add3A_9 : vector<1024x1xf32> to vector<1024x2048xf32>
      %add3A_42 = vector.broadcast %add3A_38 : vector<1x2048xf32> to vector<1024x2048xf32>
      %add3A_43 = arith.addf %add3A_41, %add3A_42 : vector<1024x2048xf32>
      %mul3A_44 = arith.constant 2.000000e+00 : f32
      %mul3A_45 = vector.broadcast %mul3A_44 : f32 to vector<1024x2048xf32>
      %mul3A_46 = arith.mulf %mul3A_45, %dot_general3A_40 : vector<1024x2048xf32>
      %sub3A = arith.subf %add3A_43, %mul3A_46 : vector<1024x2048xf32>
      %reduce_min3A = arith.constant dense<0x7F800000> : vector<1024xf32>
      %reduce_min3A_47 = vector.multi_reduction <minimumf>, %sub3A, %reduce_min3A [1] : vector<1024x2048xf32> to vector<1024xf32>
      %broadcast_in_dim3A_48 = vector.shape_cast %reduce_min3A_47 : vector<1024xf32> to vector<1024x1xf32>
      %iota3A = tpu.iota {dimensions = array<i32: 1>} : vector<1024x2048xi32>
      %mul3A_49 = arith.constant 2048 : i32
      %mul3A_50 = arith.muli %scan3A_20, %mul3A_49 : i32
      %add3A_51 = vector.broadcast %mul3A_50 : i32 to vector<1024x2048xi32>
      %add3A_52 = arith.addi %iota3A, %add3A_51 : vector<1024x2048xi32>
      %eq3A = vector.broadcast %broadcast_in_dim3A_48 : vector<1024x1xf32> to vector<1024x2048xf32>
      %eq3A_53 = arith.cmpf oeq, %sub3A, %eq3A : vector<1024x2048xf32>
      %jit3A = arith.constant 1073741824 : i32
      %broadcast_in_dim3A_54 = vector.broadcast %jit3A : i32 to vector<1024x2048xi32>
      %select_n3A = arith.select %eq3A_53, %add3A_52, %broadcast_in_dim3A_54 : vector<1024x2048xi1>, vector<1024x2048xi32>
      %reduce_min3A_55 = arith.constant dense<2147483647> : vector<1024xi32>
      %reduce_min3A_56 = vector.multi_reduction <minsi>, %select_n3A, %reduce_min3A_55 [1] : vector<1024x2048xi32> to vector<1024xi32>
      %broadcast_in_dim3A_57 = vector.shape_cast %reduce_min3A_56 : vector<1024xi32> to vector<1024x1xi32>
      %lt3A = arith.cmpf olt, %broadcast_in_dim3A_48, %scan3A_21 : vector<1024x1xf32>
      %select_n3A_58 = arith.select %lt3A, %broadcast_in_dim3A_48, %scan3A_21 : vector<1024x1xi1>, vector<1024x1xf32>
      %convert_element_type3A_59 = arith.truncf %select_n3A_58 : vector<1024x1xf32> to vector<1024x1xbf16>
      %convert_element_type3A_60 = arith.extf %convert_element_type3A_59 : vector<1024x1xbf16> to vector<1024x1xf32>
      %jit3A_61 = arith.constant 2 : i32
      %eq3A_62 = arith.constant 0 : i32
      %eq3A_63 = arith.cmpi eq, %jit3A_61, %eq3A_62 : i32
      %jit3A_64 = arith.constant 1 : i32
      %select_n3A_65 = arith.select %eq3A_63, %jit3A_64, %jit3A_61 : i32
      %rem3A = arith.remsi %scan3A_20, %select_n3A_65 : i32
      %ne3A = arith.constant 0 : i32
      %ne3A_66 = arith.cmpi ne, %rem3A, %ne3A : i32
      %lt3A_67 = arith.constant 0 : i32
      %lt3A_68 = arith.cmpi slt, %rem3A, %lt3A_67 : i32
      %lt3A_69 = arith.constant 0 : i32
      %lt3A_70 = arith.cmpi slt, %select_n3A_65, %lt3A_69 : i32
      %ne3A_71 = arith.xori %lt3A_68, %lt3A_70 : i1
      %and3A = arith.andi %ne3A_71, %ne3A_66 : i1
      %add3A_72 = arith.addi %rem3A, %select_n3A_65 : i32
      %select_n3A_73 = arith.select %and3A, %add3A_72, %rem3A : i32
      %eq3A_74 = arith.constant 1 : i32
      %eq3A_75 = arith.cmpi eq, %select_n3A_73, %eq3A_74 : i32
      %select_n3A_76 = arith.select %eq3A_75, %convert_element_type3A_60, %select_n3A_58 : vector<1024x1xf32>
      %select_n3A_77 = arith.select %lt3A, %broadcast_in_dim3A_57, %scan3A_22 : vector<1024x1xi1>, vector<1024x1xi32>
      scf.yield %select_n3A_76, %select_n3A_77 : vector<1024x1xf32>, vector<1024x1xi32>
    }
    %scan3A_17 = arith.constant 4 : i32
    %swap3A = arith.constant 0 : index
    %swap3A_18 = arith.constant 0 : index
    %swap3A_19 = vector.load %arg3[%swap3A, %swap3A_18] : memref<1024x1xi32, #tpu.memory_space<vmem>>, vector<1024x1xi32>
    tpu.vector_store %arg3[%swap3A, %swap3A_18], %scan3A_16#1 {strides = array<i32>} : memref<1024x1xi32, #tpu.memory_space<vmem>>, vector<1024x1xi32>,
    return
  }
  func.func @transform_0(%arg0: i32) -> (i32, i32) {
    %c0_i32 = arith.constant 0 : i32
    %c0_i32_0 = arith.constant 0 : i32
    return %arg0, %c0_i32 : i32, i32
  }
  func.func @transform_1(%arg0: i32) -> (i32, i32) {
    %c0_i32 = arith.constant 0 : i32
    %c0_i32_0 = arith.constant 0 : i32
    %c0_i32_1 = arith.constant 0 : i32
    return %c0_i32, %c0_i32_0 : i32, i32
  }
  func.func @transform_2(%arg0: i32) -> (i32, i32) {
    %c0_i32 = arith.constant 0 : i32
    %c0_i32_0 = arith.constant 0 : i32
    return %arg0, %c0_i32 : i32, i32
  }
}

</mosaic_0001>

<sc_bundles>
// kernel: kernel.4.cloned.1.call-start
scs
__scs_entry_jumppad:
0x0: {  	(pc) =	sbr.rel $0x88, $3  }
0x1: {  	(tag) =	ssettag $0x0;
	lr =	simm.s32 $0x1  }
0x2: {  	[smem:$0x3F9D] =	sst lr;
	_ =	strace $0xD0000000  }
0x3: {  	_ = 	snop  }
0x4: {  	_ = 	snop  }
0x5: {  	_ = 	snop  }
0x6: {  	_ = 	snop  }
0x7: {  	_ = 	snop  }
__scs_overlays_trampoline_lowered:
0x8: {  	[smem:$0x3FAC] =	sst s0  }
0x9: {  	[smem:$0x3FAD] =	sst s1  }
0xa: {  	[smem:$0x3FAE] =	sst s2  }
0xb: {  	[smem:$0x3FAF] =	sst s3  }
0xc: {  	[smem:$0x3FB0] =	sst s4  }
0xd: {  	[smem:$0x3FB1] =	sst s5  }
0xe: {  	[smem:$0x3FB2] =	sst s6  }
0xf: {  	[smem:$0x3FB3] =	sst s7  }
0x10: {  	[smem:$0x3FB4] =	sst s8  }
0x11: {  	[smem:$0x3FB5] =	sst s9;
	s0 =	simm.s32 @!p0 $0x0  }
0x12: {  	s1 =	sld [smem:$0x3F9B];
	s0 =	simm.s32 @p0 $0x1  }
0x13: {  	[smem:$0x3FB6] =	sst s0;
	s0 =	simm.s32 @!p1 $0x0  }
0x14: {  	s2 =	sld [smem:$0x3F9A];
	s0 =	simm.s32 @p1 $0x1  }
0x15: {  	[smem:$0x3FB7] =	sst s0;
	s0 =	simm.s32 @!p2 $0x0  }
0x16: {  	s3 =	sld [smem:$0x3FDB];
	s0 =	simm.s32 @p2 $0x1  }
0x17: {  	s4 =	simm.s32 $0x1BF5;
	[smem:$0x3FB9] =	sst s0  }
0x18: {  	s0 =	sld [smem:$0x3F9C];
	_ =	swait.ge [sflag:s4], $0x0  }
0x19: {  	s7 =	sld [smem:$0x3F9D]  }
0x1a: {  	s8 =	sadd.s32 $0xFFFFE003, lr  }
0x1b: {  	s9 =	sadd.s32 $0xFFFFFEF7, lr;
	s5 =	simm.s32 $0xFFFFFFFF;
	p2 =	slt.u32 s8, $0xFFFFF086  }
0x1c: {  	p1 =	slt.u32 s9, $0xF7A;
	s5 =	simm.s32 @!p2 $0x0  }
0x1d: {  	s5 =	simm.s32 @p1 $0x1;
	p0 =	seq.s32 s7, s2  }
0x1e: {  	s7 =	smul.u32 @!p0 $0xF7A, s2;
	p2 =	seq.s32 @!p0 s5, $0x0  }
0x1f: {  	s9 =	smul.u32 $0xF7A, s1;
	s8 =	simm.s32 @!p0 $0x1BF5;
	p2 =	por !p2, p0  }
0x20: {  	[sflag:s8] =	ssyncset.s32 @!p0 $0xFFFFF086;
	s6 =	sadd.s32 @!p0 s3, s7;
	s7 =	simm.s32 @!p0 $0x108  }
0x21: {  	s3 =	sadd.s32 s3, s9;
	s6 =	sadd.s32 @!p0 $0x88, s6;
	s7 =	simm.s32 @p2 $0x1082  }
0x22: {  	[simem:s7], [sflag:s8] =	dma.local @!p0 [hbm:s6], $0xF7A  }
0x23: {  	s9 =	sor.u32 $0xD0000000, s2;
	s6 =	simm.s32 $0x108;
	_ =	swait.ge @!p0 [sflag:s8], $0x0  }
0x24: {  	s3 =	sadd.s32 $0x88, s3;
	s6 =	simm.s32 @!p1 $0x1082;
	[sflag:s4] =	ssyncset.s32 $0xFFFFF086  }
0x25: {  	[simem:s6], [sflag:s4] =	dma.local [hbm:s3], $0xF7A  }
0x26: {  	[smem:$0x3F9D] =	sst s1;
	(tag) =	ssettag s2;
	_ =	strace s9  }
0x27: {  	s1 =	sld [smem:$0x3FAD]  }
0x28: {  	s2 =	sld [smem:$0x3FAE]  }
0x29: {  	s4 =	sld [smem:$0x3FB0]  }
0x2a: {  	p0 =	seq.s32 s5, $0x0;
	s5 =	sld [smem:$0x3FB1]  }
0x2b: {  	s6 =	sld [smem:$0x3FB2]  }
0x2c: {  	s7 =	sld [smem:$0x3FB3]  }
0x2d: {  	s3 =	simm.s32 $0x108;
	s8 =	sld [smem:$0x3FB4]  }
0x2e: {  	s3 =	simm.s32 @!p0 $0x1082;
	s9 =	sld [smem:$0x3FB5]  }
0x2f: {  	lr =	sadd.s32 s0, s3;
	s0 =	sld [smem:$0x3FAC]  }
0x30: {  	s3 =	sld [smem:$0x3FAF]  }
0x31: {  	[smem:$0x3FB8] =	sst s10  }
0x32: {  	s10 =	sld [smem:$0x3FB6];
	_ =	sdelay $0x3  }
0x33: {  	p0 =	seq.s32 s10, $0x1;
	s10 =	sld [smem:$0x3FB8];
	_ =	sdelay $0x3  }
0x34: {  	[smem:$0x3FB8] =	sst s10  }
0x35: {  	s10 =	sld [smem:$0x3FB7];
	_ =	sdelay $0x3  }
0x36: {  	p1 =	seq.s32 s10, $0x1;
	s10 =	sld [smem:$0x3FB8];
	_ =	sdelay $0x3  }
0x37: {  	[smem:$0x3FB8] =	sst s10  }
0x38: {  	s10 =	sld [smem:$0x3FB9]  }
0x39: {  	_ = 	snop;
	(pc) =	sbr.ind lr, $3  }
0x3a: {  	_ = 	snop  }
0x3b: {  	_ = 	snop  }
0x3c: {  	p2 =	seq.s32 s10, $0x1;
	s10 =	sld [smem:$0x3FB8]  }
0x3d: {  	_ =	shalt  }
0x3e: {  	_ =	shalt  }
0x3f: {  	_ =	shalt  }
0x40: {  	_ =	shalt  }
0x41: {  	_ =	shalt  }
0x42: {  	_ =	shalt  }
0x43: {  	_ =	shalt  }
0x44: {  	_ =	shalt  }
0x45: {  	_ =	shalt  }
0x46: {  	_ =	shalt  }
0x47: {  	_ =	shalt  }
0x48: {  	_ =	shalt  }
0x49: {  	_ =	shalt  }
0x4a: {  	_ =	shalt  }
0x4b: {  	_ =	shalt  }
0x4c: {  	_ =	shalt  }
0x4d: {  	_ =	shalt  }
0x4e: {  	_ =	shalt  }
0x4f: {  	_ =	shalt  }
0x50: {  	_ =	shalt  }
0x51: {  	_ =	shalt  }
0x52: {  	_ =	shalt  }
0x53: {  	_ =	shalt  }
0x54: {  	_ =	shalt  }
0x55: {  	_ =	shalt  }
0x56: {  	_ =	shalt  }
0x57: {  	_ =	shalt  }
0x58: {  	_ =	shalt  }
0x59: {  	_ =	shalt  }
0x5a: {  	_ =	shalt  }
0x5b: {  	_ =	shalt  }
0x5c: {  	_ =	shalt  }
0x5d: {  	_ =	shalt  }
0x5e: {  	_ =	shalt  }
0x5f: {  	_ =	shalt  }
0x60: {  	_ =	shalt  }
0x61: {  	_ =	shalt  }
0x62: {  	_ =	shalt  }
0x63: {  	_ =	shalt  }
0x64: {  	_ =	shalt  }
0x65: {  	_ =	shalt  }
0x66: {  	_ =	shalt  }
0x67: {  	_ =	shalt  }
0x68: {  	_ =	shalt  }
0x69: {  	_ =	shalt  }
0x6a: {  	_ =	shalt  }
0x6b: {  	_ =	shalt  }
0x6c: {  	_ =	shalt  }
0x6d: {  	_ =	shalt  }
0x6e: {  	_ =	shalt  }
0x6f: {  	_ =	shalt  }
0x70: {  	_ =	shalt  }
0x71: {  	_ =	shalt  }
0x72: {  	_ =	shalt  }
0x73: {  	_ =	shalt  }
0x74: {  	_ =	shalt  }
0x75: {  	_ =	shalt  }
0x76: {  	_ =	shalt  }
0x77: {  	_ =	shalt  }
0x78: {  	_ =	shalt  }
0x79: {  	_ =	shalt  }
0x7a: {  	_ =	shalt  }
0x7b: {  	_ =	shalt  }
0x7c: {  	_ =	shalt  }
0x7d: {  	_ =	shalt  }
0x7e: {  	_ =	shalt  }
0x7f: {  	_ =	shalt  }
0x80: {  	_ =	shalt  }
0x81: {  	_ =	shalt  }
0x82: {  	_ =	shalt  }
0x83: {  	_ =	shalt  }
0x84: {  	_ =	shalt  }
0x85: {  	_ =	shalt  }
0x86: {  	_ =	shalt  }
0x87: {  	_ =	shalt  }
.Lfunc_end0:
.L_simem_size_0:
called_computation_lowered:
.L_overlay_start_0:
0x88: {  	s2 =	sld [smem:$0x3FD9]  }
0x89: {  	s3 =	sld [smem:$0x3FFE];
	_ =	sdelay $0x1  }
0x8a: {  	s1 =	srdreg.scid  }
0x8b: {  	s0 =	sand.u32 $0x1, s1  }
0x8c: {  	s17 =	sshll.u32 s0, $0xA;
	s2 =	sadd.s32 s3, s2  }
0x8d: {  	s2 =	sadd.s32 s2, s17  }
0x8e: {  	[smem:$0x3FC4] =	sst s2  }
0x8f: {  	_ = 	snop  }
0x90: {  	s2 =	sld [smem:$0x3FC9]  }
0x91: {  	s18 =	sld [smem:$0x3FC8]  }
0x92: {  	s4 =	sld [smem:$0x3FD0];
	(tm) =	ssettm $0x1  }
0x93: {  	s5 =	sld [smem:$0x3FFB];
	_ =	sdelay $0x3  }
0x94: {  	_ =	strace s5  }
0x95: {  	s5 =	sld [smem:$0x3FFC];
	_ =	sdelay $0x3  }
0x96: {  	_ =	strace s5  }
0x97: {  	s5 =	sld [smem:$0x3FFD];
	_ =	sdelay $0x3  }
0x98: {  	_ =	strace s5  }
0x99: {  	_ =	strace $0x8FFFFFFF  }
0x9a: {  	s19 =	sld [smem:$0x3FDB];
	_ =	sdelay $0x1  }
0x9b: {  	s6 =	simm.s32 $_scs_section_size  }
0x9c: {  	s7 =	simm.s32 $_size__tile_overlayer_lowered;
	s8 =	simm.s32 $_tile_overlayer_lowered  }
0x9d: {  	s22 =	simm.s32 $0x1BFF;
	s21 =	sshll.u32 s8, $0x1;
	s5 =	sadd.s32 s6, s19  }
0x9e: {  	s9 =	simm.s32 $0x0;
	s20 =	sshll.u32 s7, $0x1;
	s7 =	sadd.s32 s21, s5  }
0x9f: {  	[timem:s9], [sflag:s22] =	dma.local [hbm:s7], s20  }
0xa0: {  	_ =	swait.ge [sflag:s22], s20  }
0xa1: {  	s6 =	ssub.s32 $0x0, s20;
	[sflag:s22] =	ssyncset.done $0x0  }
0xa2: {  	[sflag:s22] =	ssyncadd.s32 s6;
	_ =	sdelay $0x1  }
0xa3: {  	s23 =	simm.s32 $0x1B8B  }
0xa4: {  	_ =	swait.ge [sflag:s23], $0x1  }
0xa5: {  	[sflag:s23] =	ssyncset.done $0x0  }
0xa6: {  	s25 =	simm.s32 $0x1B8E;
	s24 =	sld [smem:$0x3FFE];
	[sflag:s23] =	ssyncadd.s32 $0xFFFFFFFF  }
0xa7: {  	s26 =	simm.s32 $execute0_lowered;
	[smem:$0x3FD2] =	sst s25  }
0xa8: {  	s7 =	sshll.u32 s26, $0x1;
	_ =	strace $0x80000046;
	[dreg:$0x1] =	wrdreg $0xFFFFFFFF  }
0xa9: {  	s28 =	simm.s32 $_size_execute0_lowered;
	s5 =	sadd.s32 s5, s7;
	[dreg:$0x0] =	wrdreg $0x0  }
0xaa: {  	s7 =	sshll.u32 s28, $0x1;
	[dreg:$0x2] =	wrdreg s5  }
0xab: {  	[dreg:$0x3] =	wrdreg s7  }
0xac: {  	[dreg:$0x4] =	wrdreg $0xC0  }
0xad: {  	_ =	task [dreg:s9], $0x5FFFF  }
0xae: {  	[dreg:$0x1] =	wrdreg $0xFFFFFFFF  }
0xaf: {  	[dreg:$0x0] =	wrdreg $0x60  }
0xb0: {  	[dreg:$0x2] =	wrdreg s2  }
0xb1: {  	[dreg:$0x3] =	wrdreg s18  }
0xb2: {  	[dreg:$0x4] =	wrdreg s24  }
0xb3: {  	[dreg:$0x5] =	wrdreg s4  }
0xb4: {  	[dreg:$0x6] =	wrdreg $0x9  }
0xb5: {  	_ =	task.clear_ibuf [dreg:s9], $0x7FFFF;
	_ =	strace $0x90000046  }
0xb6: {  	s29 =	simm.s32 $0x9;
	_ =	strace $0x80000048  }
0xb7: {  	_ =	swait.ge [sflag:s29], $0x1  }
0xb8: {  	[sflag:s29] =	ssyncadd.s32 $0xFFFFFFFF  }
0xb9: {  	_ =	strace $0x90000048  }
0xba: {  	_ =	sfence  }
0xbb: {  	s30 =	sld [smem:$0x0];
	_ =	sdelay $0x2  }
0xbc: {  	s31 =	sshll.u32 s1, $0xD;
	s1 =	sshrl.u32 s1, $0x2  }
0xbd: {  	s3 =	sand.u32 $0x4000, s31;
	s1 =	sadd.s32 s1, s30  }
0xbe: {  	s0 =	sor.u32 s3, s0;
	s1 =	sshll.u32 s1, $0x11  }
0xbf: {  	s0 =	sor.u32 s1, s0  }
0xc0: {  	s0 =	sadd.s32 $0x8F2B, s0  }
0xc1: {  	[sflag:s0] =	ssyncadd.remote.s32 $0x1  }
0xc2: {  	_ =	sfence.sel $0xFFFF  }
0xc3: {  	[dreg:$0x0] =	wrdreg $0xFFFFFFFF;
	(pc) =	sbr.abs _section_cstart, $3  }
0xc4: {  	[dreg:$0x1] =	wrdreg $0xFFFFFFFF  }
0xc5: {  	_ =	task.clear_ibuf [dreg:s9], $0x2FFFF;
	_ =	strace $0x9FFFFFFF  }
0xc6: {  	(tm) =	ssettm $0x7FFFFFFF  }
0xc7: {  	_ =	shalt  }
tec
execute0_lowered:
.L_overlay_start_1:
0x0: {  	(tag) =	ssettag $0x1  }
0x1: {  	s1 =	rddreg [dreg:$0x0]  }
0x2: {  	s2 =	rddreg [dreg:$0x1]  }
0x3: {  	s3 =	rddreg [dreg:$0x2]  }
0x4: {  	s4 =	rddreg [dreg:$0x3]  }
0x5: {  	s6 =	srdreg.scid;
	s0 =	rddreg [dreg:$0x4];
	s5 =	simm.s32 $0x0  }
0x6: {  	s10 =	simm.s32 $0x1;
	s11 =	simm.s32 $0x80;
	s12 =	simm.s32 $0x400  }
0x7: {  	s13 =	simm.s32 $0x2000;
	s14 =	simm.s32 $0x4000;
	s7 =	sand.u32 $0x1, s6  }
0x8: {  	s15 =	simm.s32 $0x0;
	[smem:$0x7FF] =	sst s5;
	s8 =	ssub.s32 $0x2, s7  }
0x9: {  	s6 =	stileid.u32;
	_ =	strace $0x80000047;
	s9 =	sshrl.u32 s8, $0x1  }
0xa: {  	s31 =	sshll.u32 s6, $0xE;
	s7 =	sshll.u32 s7, $0xD;
	s9 =	ssub.s32 s8, s9  }
0xb: {  	s7 =	sor.u32 s7, s31;
	s8 =	sadd.s32 $0x40000, s4;
	s9 =	smax.u32 s9, $0x1  }
.LBB2_1:
0xc: {  	[tilespmem:s5], [sflag:$0x1] =	stream.linear.gather [hbm4b:s3+s5], $0x2000, $0x38;
	[tilespmem:$0x6000] =	vst v63  }
0xd: {  	_ =	swait.ge [sflag:s10], $0x2000  }
0xe: {  	[sflag:s10] =	ssyncset.done $0x0  }
0xf: {  	s16 =	simm.s32 $0x0;
	[sflag:s10] =	ssyncadd.s32 $0xFFFFE000  }
.LBB2_2:
0x10: {  	s17 =	sshll.u32 s16, $0x4  }
0x11: {  	s17 =	sadd.s32 s7, s17  }
0x12: {  	s18 =	sadd.s32 s1, s17  }
0x13: {  	[tilespmem:s13], [sflag:$0x1] =	stream.strided.gather [hbm4b:s18+s11], $0x2000, s12, s11, $0x38;
	[tilespmem:$0x6000] =	vst v63  }
0x14: {  	_ =	swait.ge [sflag:s10], $0x2000  }
0x15: {  	s19 =	simm.s32 $0x40;
	[sflag:s10] =	ssyncset.done $0x0  }
0x16: {  	s20 =	simm.s32 $0x4040;
	s18 =	simm.s32 $0xFFFFFFF8;
	[sflag:s10] =	ssyncadd.s32 $0xFFFFE000  }
.LBB2_3:
0x17: {  	v0 =	vld [tilespmem:s19+$0xFFFFFFC0];
	_ =	sdelay $0x7  }
0x18: {  	v0 =	vld.idx.msk [tilespmem:v0+s13+$0x0], $0xffff;
	_ =	sdelay $0x4  }
0x19: {  	[tilespmem:s20+$0xFFFFFFC0] =	vst v0  }
0x1a: {  	v0 =	vld [tilespmem:s19+$0xFFFFFFD0];
	_ =	sdelay $0x7  }
0x1b: {  	v0 =	vld.idx.msk [tilespmem:v0+s13+$0x0], $0xffff;
	_ =	sdelay $0x4  }
0x1c: {  	[tilespmem:s20+$0xFFFFFFD0] =	vst v0  }
0x1d: {  	v0 =	vld [tilespmem:s19+$0xFFFFFFE0];
	_ =	sdelay $0x7  }
0x1e: {  	v0 =	vld.idx.msk [tilespmem:v0+s13+$0x0], $0xffff;
	_ =	sdelay $0x4  }
0x1f: {  	[tilespmem:s20+$0xFFFFFFE0] =	vst v0  }
0x20: {  	v0 =	vld [tilespmem:s19+$0xFFFFFFF0];
	_ =	sdelay $0x7  }
0x21: {  	v0 =	vld.idx.msk [tilespmem:v0+s13+$0x0], $0xffff;
	_ =	sdelay $0x4  }
0x22: {  	[tilespmem:s20+$0xFFFFFFF0] =	vst v0  }
0x23: {  	v0 =	vld [tilespmem:s19+$0x0];
	_ =	sdelay $0x7  }
0x24: {  	v0 =	vld.idx.msk [tilespmem:v0+s13+$0x0], $0xffff;
	_ =	sdelay $0x4  }
0x25: {  	[tilespmem:s20+$0x0] =	vst v0  }
0x26: {  	v0 =	vld [tilespmem:s19+$0x10];
	_ =	sdelay $0x7  }
0x27: {  	v0 =	vld.idx.msk [tilespmem:v0+s13+$0x0], $0xffff;
	_ =	sdelay $0x4  }
0x28: {  	[tilespmem:s20+$0x10] =	vst v0  }
0x29: {  	v0 =	vld [tilespmem:s19+$0x20];
	_ =	sdelay $0x7  }
0x2a: {  	v0 =	vld.idx.msk [tilespmem:v0+s13+$0x0], $0xffff;
	_ =	sdelay $0x4  }
0x2b: {  	[tilespmem:s20+$0x20] =	vst v0  }
0x2c: {  	v0 =	vld [tilespmem:s19+$0x30];
	_ =	sdelay $0x6  }
0x2d: {  	s18 =	sadd.s32 $0x8, s18  }
0x2e: {  	p0 =	slt.u32 s18, $0x1F8;
	v0 =	vld.idx.msk [tilespmem:v0+s13+$0x0], $0xffff  }
.Ltmp0:
0x2f: {  	_ = 	snop;
	(pc) =	sbr.rel @p0 .LBB2_3-.Ltmp0, $2  }
0x30: {  	_ =	sdelay $0x2  }
0x31: {  	s19 =	sadd.s32 $0x80, s19;
	[tilespmem:s20+$0x30] =	vst v0;
	s20 =	sadd.s32 $0x80, s20  }
0x32: {  	s18 =	sadd.s32 s4, s17  }
0x33: {  	[hbm4b:s18+s11] =	stream.strided.scatter [tilespmem:s14], [sflag:$0x1], $0x2000, s12, s11, $0x38;
	[tilespmem:$0x6000] =	vst v63  }
0x34: {  	_ =	swait.ge [sflag:s10], $0x2000  }
0x35: {  	[sflag:s10] =	ssyncset.done $0x0  }
0x36: {  	s30 =	sadd.s32 s2, s17;
	[sflag:s10] =	ssyncadd.s32 $0xFFFFE000  }
0x37: {  	[tilespmem:s13], [sflag:$0x1] =	stream.strided.gather [hbm4b:s30+s11], $0x2000, s12, s11, $0x38;
	[tilespmem:$0x6000] =	vst v63  }
0x38: {  	s16 =	sadd.s32 $0x1, s16;
	_ =	swait.ge [sflag:s10], $0x2000  }
0x39: {  	p0 =	sne.s32 s16, $0x8;
	[sflag:s10] =	ssyncset.done $0x0  }
.Ltmp1:
0x3a: {  	s31 =	sadd.s32 s17, s8;
	[sflag:s10] =	ssyncadd.s32 $0xFFFFE000;
	(pc) =	sbr.rel @p0 .LBB2_2-.Ltmp1, $4  }
0x3b: {  	[hbm4b:s31+s11] =	stream.strided.scatter [tilespmem:s13], [sflag:$0x1], $0x2000, s12, s11, $0x38;
	[tilespmem:$0x6000] =	vst v63  }
0x3c: {  	_ =	swait.ge [sflag:s10], $0x2000  }
0x3d: {  	[sflag:s10] =	ssyncset.done $0x0  }
0x3e: {  	[sflag:s10] =	ssyncadd.s32 $0xFFFFE000  }
0x3f: {  	s15 =	sadd.s32 $0x1, s15  }
0x40: {  	p0 =	sne.s32 s15, s9  }
.Ltmp2:
0x41: {  	_ = 	snop;
	(pc) =	sbr.rel @p0 .LBB2_1-.Ltmp2, $1  }
0x42: {  	_ =	sdelay $0x3  }
0x43: {  	_ =	sfence.sel $0x180000  }
0x44: {  	[bflag:$0x0] =	sbarrier.arrive $0xFFFF  }
0x45: {  	p0 =	sne.s32 s6, $0x0;
	_ =	strace $0x90000047  }
0x46: {  	s0 =	sadd.s32 @!p0 $0x100000, s0;
	[bflag:$0x2] =	sbarrier.arrive $0xFFFF  }
0x47: {  	[sflag:s0] =	ssyncadd.tile.s32 @!p0 $0x1;
	_ =	shalt  }
.Lfunc_end2:
_tile_overlayer_lowered:
.L_overlay_start_2:
0x48: {  	(tag) =	ssettag $0x2  }
0x49: {  	s0 =	rddreg [dreg:$0x0];
	s2 =	stileid.u32  }
0x4a: {  	s1 =	rddreg [dreg:$0x1];
	p0 =	sne.s32 s2, $0x0  }
0x4b: {  	s3 =	rddreg [dreg:$0x2];
	[bflag:$0x3] =	sbarrier.arrive $0xFFFF;
	s2 =	simm.s32 @!p0 $0x1C01  }
0x4c: {  	[timem:s3], [sflag:s2] =	dma.local @!p0 [hbm:s0], s1  }
0x4d: {  	s0 =	simm.s32 @!p0 $0x1  }
0x4e: {  	_ =	swait.ge @!p0 [sflag:s0], s1  }
0x4f: {  	s1 =	ssub.s32 @!p0 $0x0, s1;
	[sflag:s0] =	ssyncset.done @!p0 $0x0  }
0x50: {  	[sflag:s0] =	ssyncadd.s32 @!p0 s1  }
0x51: {  	[bflag:$0x3] =	sbarrier.arrive $0xFFFF  }
0x52: {  	_ =	shalt  }

</sc_bundles>
